<compile_context>
chip_gen: v7x
topology: tpu7x:2x2x1
jax: 0.10.2.dev20260603
libtpu: 0.0.44.dev20260713+nightly
codegen_flags: <defaults>
</compile_context>

<pallas_src>
import functools

import jax
import jax.numpy as jnp
from jax import lax
from jax.experimental import pallas as pl
from jax.experimental.pallas import tpu as pltpu
from jax.experimental.pallas import tpu_sc as plsc

_TV = 8192


def _sc_gather_body(idx_hbm, table_hbm, out_hbm, idx_v, rows_v, sem):
    c = lax.axis_index("c")
    s = lax.axis_index("s")
    wid = s * 2 + c

    @pl.when(wid == 0)
    def _():
        pltpu.sync_copy(idx_hbm, idx_v)
        pltpu.async_copy(table_hbm.at[idx_v], rows_v, sem).wait()
        pltpu.sync_copy(rows_v, out_hbm)


def _sc_gather(idx, table):
    ctx = idx.shape[0]
    embed = table.shape[1]
    mesh = plsc.VectorSubcoreMesh(core_axis_name="c", subcore_axis_name="s")
    return pl.kernel(
        _sc_gather_body,
        out_type=jax.ShapeDtypeStruct((ctx, embed), jnp.float32),
        mesh=mesh,
        scratch_types=[
            pltpu.VMEM((ctx,), jnp.int32),
            pltpu.VMEM((ctx, embed), jnp.float32),
            pltpu.SemaphoreType.DMA,
        ],
    )(idx, table)


def _tc_kernel(emb_ref, w1_ref, b1_ref, w2t_ref, b2_ref, out_ref, h_ref,
               *, vocab, nv):
    j = pl.program_id(0)

    @pl.when(j == 0)
    def _compute_hidden():
        acc = jax.lax.dot_general(
            emb_ref[...], w1_ref[...],
            dimension_numbers=(((1,), (0,)), ((), ())),
            preferred_element_type=jnp.float32,
        )
        h_ref[...] = jnp.maximum(acc + b1_ref[...], 0.0)

    logits = jax.lax.dot_general(
        h_ref[...], w2t_ref[...],
        dimension_numbers=(((1,), (1,)), ((), ())),
        preferred_element_type=jnp.float32,
    ) + b2_ref[...]

    rem = vocab - (nv - 1) * _TV

    @pl.when(j < nv - 1)
    def _store_full():
        out_ref[:, pl.ds(pl.multiple_of(j * _TV, _TV), _TV)] = logits

    @pl.when(j == nv - 1)
    def _store_tail_and_normalize():
        out_ref[:, pl.ds((nv - 1) * _TV, rem)] = logits[:, :rem]
        x = out_ref[...]
        m = jnp.max(x)
        lse = m + jnp.log(jnp.sum(jnp.exp(x - m)))
        out_ref[...] = x - lse


def kernel(inputs, table, W1, b1, W2, b2):
    vocab, embed = table.shape
    ctx = inputs.shape[0]
    hidden = W1.shape[1]
    nv = pl.cdiv(vocab, _TV)

    idx = inputs.astype(jnp.int32)
    b1r = b1.reshape(1, hidden)
    b2r = b2.reshape(1, vocab)
    W2T = W2.T

    emb = _sc_gather(idx, table).reshape(1, ctx * embed)

    return pl.pallas_call(
        functools.partial(_tc_kernel, vocab=vocab, nv=nv),
        grid=(nv,),
        in_specs=[
            pl.BlockSpec((1, ctx * embed), lambda j: (0, 0)),
            pl.BlockSpec((ctx * embed, hidden), lambda j: (0, 0)),
            pl.BlockSpec((1, hidden), lambda j: (0, 0)),
            pl.BlockSpec((_TV, hidden), lambda j: (j, 0)),
            pl.BlockSpec((1, _TV), lambda j: (0, j)),
        ],
        out_specs=pl.BlockSpec((1, vocab), lambda j: (0, 0)),
        scratch_shapes=[
            pltpu.VMEM((1, hidden), jnp.float32),
        ],
        out_shape=jax.ShapeDtypeStruct((1, vocab), jnp.float32),
        compiler_params=pltpu.CompilerParams(
            dimension_semantics=("arbitrary",),
            vmem_limit_bytes=64 * 1024 * 1024,
        ),
    )(emb, W1, b1r, W2T, b2r)

# --- scband reference (transcript-rebuilt; emitter-appended) ---
"""Pipeline reference for scband-ngram-language-modeler-45518063403416 (READ-ONLY COPY).

The authoritative reference and input builder live on the scoring server;
editing this copy changes nothing except your own understanding.
"""

import jax, jax.numpy as jnp
import numpy as np

VOCAB = 100000
EMBED = 128
CTX = 50
HIDDEN = 256


def setup_inputs(seed: int = 0) -> dict:
    key = jax.random.key(seed)
    k1, k2, k3, k4 = jax.random.split(key, 4)
    inputs = jax.random.randint(k1, (CTX,), 0, VOCAB)
    table = jax.random.normal(k2, (VOCAB, EMBED), dtype=jnp.float32)
    W1 = jax.random.normal(k3, (CTX * EMBED, HIDDEN), dtype=jnp.float32) * 0.01
    b1 = jnp.zeros((HIDDEN,), dtype=jnp.float32)
    W2 = jax.random.normal(k4, (HIDDEN, VOCAB), dtype=jnp.float32) * 0.01
    b2 = jnp.zeros((VOCAB,), dtype=jnp.float32)
    return {"inputs": inputs, "table": table, "W1": W1, "b1": b1, "W2": W2, "b2": b2}


def reference(inputs, table, W1, b1, W2, b2):
    # embeds = self.embeddings(inputs).view((1, -1))
    embeds = jnp.take(table, inputs, axis=0).reshape(1, -1)
    # out = F.relu(self.linear1(embeds))
    h = jax.nn.relu(embeds @ W1 + b1)
    # out = self.linear2(out)
    out = h @ W2 + b2
    # log_probs = F.log_softmax(out, dim=1)
    return jax.nn.log_softmax(out, axis=1)

if __name__ == "__main__":
    import jax
    _d = setup_inputs()
    print(jax.jit(kernel)(*tuple(_d.values())))

</pallas_src>

<mosaic_0001>
#map = affine_map<(d0, d1) -> (0)>
#map1 = affine_map<(d0, d1) -> (0, 0)>
module attributes {stable_mosaic.version = 14 : i64} {
  func.func @_sc_gather_body(%arg0: i32, %arg1: i32, %arg2: memref<50xi32, #tpu.memory_space<hbm>>, %arg3: memref<100000x128xf32, #tpu.memory_space<hbm>>, %arg4: memref<50x128xf32, #tpu.memory_space<hbm>>, %arg5: memref<50xi32, #tpu.memory_space<vmem>>, %arg6: memref<50x128xf32, #tpu.memory_space<vmem>>, %arg7: memref<!tpu.dma_semaphore, #tpu.memory_space<semaphore_mem>>) attributes {dimension_semantics = [#tpu.dimension_semantics<core_parallel>, #tpu.dimension_semantics<subcore_parallel>], iteration_bounds = array<i64: 2, 16>, scalar_prefetch = 0 : i64, scratch_operands = 3 : i64, tpu.core_type = #tpu.core_type<sc_vector_subcore>, window_params = [{transform_indices = #map}, {transform_indices = #map1}, {transform_indices = #map1}]} {
    %mul3A = arith.constant 2 : i32
    %mul3A_0 = arith.muli %arg1, %mul3A : i32
    %add3A = arith.addi %mul3A_0, %arg0 : i32
    %eq3A = arith.constant 0 : i32
    %eq3A_1 = arith.cmpi eq, %add3A, %eq3A : i32
    %convert_element_type3A = arith.extui %eq3A_1 : i1 to i32
    %cond3A = arith.constant 0 : i32
    %cond3A_2 = arith.cmpi ne, %convert_element_type3A, %cond3A : i32
    scf.if %cond3A_2 {
      "tpu.region"() ({
        %run_scoped3A = tpu.sem_alloc : memref<!tpu.dma_semaphore, #tpu.memory_space<semaphore_mem>>
        tpu.enqueue_dma source(%arg2 : memref<50xi32, #tpu.memory_space<hbm>>) target(%arg5 : memref<50xi32, #tpu.memory_space<vmem>>) target_semaphore(%run_scoped3A : memref<!tpu.dma_semaphore, #tpu.memory_space<semaphore_mem>>)
        tpu.wait_dma2 semaphore(%run_scoped3A : memref<!tpu.dma_semaphore, #tpu.memory_space<semaphore_mem>>) src(%arg2 : memref<50xi32, #tpu.memory_space<hbm>>) dst(%arg5 : memref<50xi32, #tpu.memory_space<vmem>>)
        tpu.yield
      }) : () -> ()
      %dma_start3A = arith.constant 0 : i32
      %dma_start3A_3 = arith.constant 0 : i32
      %dma_start3A_4 = tpu.memref_slice %arg3[%dma_start3A, %dma_start3A_3] : memref<100000x128xf32, #tpu.memory_space<hbm>> -> memref<100000x128xf32, #tpu.memory_space<hbm>>
      tpu.enqueue_indirect_dma source(%dma_start3A_4 : memref<100000x128xf32, #tpu.memory_space<hbm>>) target(%arg6 : memref<50x128xf32, #tpu.memory_space<vmem>>) offsets(%arg5 : memref<50xi32, #tpu.memory_space<vmem>>) semaphore(%arg7 : memref<!tpu.dma_semaphore, #tpu.memory_space<semaphore_mem>>)
      %dma_wait3A = arith.constant 0 : i32
      %dma_wait3A_5 = arith.constant 0 : i32
      %dma_wait3A_6 = tpu.memref_slice %arg3[%dma_wait3A, %dma_wait3A_5] : memref<100000x128xf32, #tpu.memory_space<hbm>> -> memref<100000x128xf32, #tpu.memory_space<hbm>>
      tpu.wait_indirect_dma semaphore(%arg7 : memref<!tpu.dma_semaphore, #tpu.memory_space<semaphore_mem>>) src(%dma_wait3A_6 : memref<100000x128xf32, #tpu.memory_space<hbm>>) dst(%arg6 : memref<50x128xf32, #tpu.memory_space<vmem>>)
      "tpu.region"() ({
        %run_scoped3A = tpu.sem_alloc : memref<!tpu.dma_semaphore, #tpu.memory_space<semaphore_mem>>
        tpu.enqueue_dma source(%arg6 : memref<50x128xf32, #tpu.memory_space<vmem>>) target(%arg4 : memref<50x128xf32, #tpu.memory_space<hbm>>) target_semaphore(%run_scoped3A : memref<!tpu.dma_semaphore, #tpu.memory_space<semaphore_mem>>)
        tpu.wait_dma2 semaphore(%run_scoped3A : memref<!tpu.dma_semaphore, #tpu.memory_space<semaphore_mem>>) src(%arg6 : memref<50x128xf32, #tpu.memory_space<vmem>>) dst(%arg4 : memref<50x128xf32, #tpu.memory_space<hbm>>)
        tpu.yield
      }) : () -> ()
    } else {
    }
    return
  }
}

module attributes {stable_mosaic.version = 14 : i64} {
  func.func @_tc_kernel(%arg0: i32, %arg1: memref<1x6400xf32, #tpu.memory_space<vmem>>, %arg2: memref<6400x256xf32, #tpu.memory_space<vmem>>, %arg3: memref<1x256xf32, #tpu.memory_space<vmem>>, %arg4: memref<8192x256xf32, #tpu.memory_space<vmem>>, %arg5: memref<1x8192xf32, #tpu.memory_space<vmem>>, %arg6: memref<1x100000xf32, #tpu.memory_space<vmem>>, %arg7: memref<1x256xf32, #tpu.memory_space<vmem>>) attributes {dimension_semantics = [#tpu.dimension_semantics<arbitrary>], iteration_bounds = array<i64: 13>, scalar_prefetch = 0 : i64, scratch_operands = 1 : i64, tpu.core_type = #tpu.core_type<tc>, window_params = [{pipeline_mode = #tpu.pipeline_mode<synchronous>, transform_indices = @transform_0, window_bounds = array<i64: 1, 6400>}, {pipeline_mode = #tpu.pipeline_mode<synchronous>, transform_indices = @transform_1, window_bounds = array<i64: 6400, 256>}, {pipeline_mode = #tpu.pipeline_mode<synchronous>, transform_indices = @transform_2, window_bounds = array<i64: 1, 256>}, {transform_indices = @transform_3, window_bounds = array<i64: 8192, 256>}, {transform_indices = @transform_4, window_bounds = array<i64: 1, 8192>}, {pipeline_mode = #tpu.pipeline_mode<synchronous>, transform_indices = @transform_5, window_bounds = array<i64: 1, 100000>}]} {
    %eq3A = arith.constant 0 : i32
    %eq3A_0 = arith.cmpi eq, %arg0, %eq3A : i32
    %convert_element_type3A = arith.extui %eq3A_0 : i1 to i32
    %cond3A = arith.constant 0 : i32
    %cond3A_1 = arith.cmpi ne, %convert_element_type3A, %cond3A : i32
    scf.if %cond3A_1 {
      %get3A_20 = arith.constant 0 : index
      %get3A_21 = arith.constant 0 : index
      %get3A_22 = vector.load %arg1[%get3A_20, %get3A_21] : memref<1x6400xf32, #tpu.memory_space<vmem>>, vector<1x6400xf32>
      %get3A_23 = arith.constant 0 : index
      %get3A_24 = arith.constant 0 : index
      %get3A_25 = vector.load %arg2[%get3A_23, %get3A_24] : memref<6400x256xf32, #tpu.memory_space<vmem>>, vector<6400x256xf32>
      %dot_general3A_26 = arith.constant dense<0.000000e+00> : vector<1x256xf32>
      %dot_general3A_27 = tpu.matmul %get3A_22, %get3A_25, %dot_general3A_26 {dimension_numbers = #tpu.dot_dimension_numbers<[1], [0], [0], [1], [0, 0, 1, 1], [], []>, transpose_lhs_hint = false} : vector<1x6400xf32>, vector<6400x256xf32>, vector<1x256xf32> -> vector<1x256xf32>
      %get3A_28 = arith.constant 0 : index
      %get3A_29 = arith.constant 0 : index
      %get3A_30 = vector.load %arg3[%get3A_28, %get3A_29] : memref<1x256xf32, #tpu.memory_space<vmem>>, vector<1x256xf32>
      %add3A_31 = arith.addf %dot_general3A_27, %get3A_30 : vector<1x256xf32>
      %max3A = arith.constant 0.000000e+00 : f32
      %max3A_32 = vector.broadcast %max3A : f32 to vector<1x256xf32>
      %max3A_33 = arith.maximumf %add3A_31, %max3A_32 : vector<1x256xf32>
      %swap3A = arith.constant 0 : index
      %swap3A_34 = arith.constant 0 : index
      %swap3A_35 = vector.load %arg7[%swap3A, %swap3A_34] : memref<1x256xf32, #tpu.memory_space<vmem>>, vector<1x256xf32>
      tpu.vector_store %arg7[%swap3A, %swap3A_34], %max3A_33 {strides = array<i32>} : memref<1x256xf32, #tpu.memory_space<vmem>>, vector<1x256xf32>,
    } else {
    }
    %get3A = arith.constant 0 : index
    %get3A_2 = arith.constant 0 : index
    %get3A_3 = vector.load %arg7[%get3A, %get3A_2] : memref<1x256xf32, #tpu.memory_space<vmem>>, vector<1x256xf32>
    %get3A_4 = arith.constant 0 : index
    %get3A_5 = arith.constant 0 : index
    %get3A_6 = vector.load %arg4[%get3A_4, %get3A_5] : memref<8192x256xf32, #tpu.memory_space<vmem>>, vector<8192x256xf32>
    %dot_general3A = arith.constant dense<0.000000e+00> : vector<1x8192xf32>
    %dot_general3A_7 = tpu.matmul %get3A_3, %get3A_6, %dot_general3A {dimension_numbers = #tpu.dot_dimension_numbers<[1], [1], [0], [0], [0, 0, 1, 0], [], []>, transpose_lhs_hint = false} : vector<1x256xf32>, vector<8192x256xf32>, vector<1x8192xf32> -> vector<1x8192xf32>
    %get3A_8 = arith.constant 0 : index
    %get3A_9 = arith.constant 0 : index
    %get3A_10 = vector.load %arg5[%get3A_8, %get3A_9] : memref<1x8192xf32, #tpu.memory_space<vmem>>, vector<1x8192xf32>
    %add3A = arith.addf %dot_general3A_7, %get3A_10 : vector<1x8192xf32>
    %lt3A = arith.constant 12 : i32
    %lt3A_11 = arith.cmpi slt, %arg0, %lt3A : i32
    %convert_element_type3A_12 = arith.extui %lt3A_11 : i1 to i32
    %cond3A_13 = arith.constant 0 : i32
    %cond3A_14 = arith.cmpi ne, %convert_element_type3A_12, %cond3A_13 : i32
    scf.if %cond3A_14 {
      %mul3A = arith.constant 8192 : i32
      %mul3A_20 = arith.muli %arg0, %mul3A : i32
      %multiple_of3A = tpu.assume_multiple %mul3A_20, 8192 : i32
      %swap3A = arith.constant 0 : index
      %swap3A_21 = arith.index_cast %multiple_of3A : i32 to index
      %swap3A_22 = vector.load %arg6[%swap3A, %swap3A_21] : memref<1x100000xf32, #tpu.memory_space<vmem>>, vector<1x8192xf32>
      tpu.vector_store %arg6[%swap3A, %swap3A_21], %add3A {strides = array<i32>} : memref<1x100000xf32, #tpu.memory_space<vmem>>, vector<1x8192xf32>,
    } else {
    }
    %eq3A_15 = arith.constant 12 : i32
    %eq3A_16 = arith.cmpi eq, %arg0, %eq3A_15 : i32
    %convert_element_type3A_17 = arith.extui %eq3A_16 : i1 to i32
    %cond3A_18 = arith.constant 0 : i32
    %cond3A_19 = arith.cmpi ne, %convert_element_type3A_17, %cond3A_18 : i32
    scf.if %cond3A_19 {
      %slice3A = vector.extract_strided_slice %add3A {offsets = [0, 0], sizes = [1, 1696], strides = [1, 1]} : vector<1x8192xf32> to vector<1x1696xf32>
      %swap3A = arith.constant 0 : index
      %swap3A_20 = arith.constant 98304 : index
      %swap3A_21 = vector.load %arg6[%swap3A, %swap3A_20] : memref<1x100000xf32, #tpu.memory_space<vmem>>, vector<1x1696xf32>
      tpu.vector_store %arg6[%swap3A, %swap3A_20], %slice3A {strides = array<i32>} : memref<1x100000xf32, #tpu.memory_space<vmem>>, vector<1x1696xf32>,
      %get3A_22 = arith.constant 0 : index
      %get3A_23 = arith.constant 0 : index
      %get3A_24 = vector.load %arg6[%get3A_22, %get3A_23] : memref<1x100000xf32, #tpu.memory_space<vmem>>, vector<1x100000xf32>
      %reduce_max3A = vector.shape_cast %get3A_24 : vector<1x100000xf32> to vector<1x1x100000xf32>
      %reduce_max3A_25 = arith.constant dense<0xFF800000> : vector<1xf32>
      %reduce_max3A_26 = vector.multi_reduction <maximumf>, %reduce_max3A, %reduce_max3A_25 [1, 2] : vector<1x1x100000xf32> to vector<1xf32>
      %reduce_max3A_27 = vector.shape_cast %reduce_max3A_26 : vector<1xf32> to vector<1x1x1xf32>
      %reduce_max3A_28 = vector.extract %reduce_max3A_27[0, 0, 0] : f32 from vector<1x1x1xf32>
      %sub3A = vector.broadcast %reduce_max3A_28 : f32 to vector<1x100000xf32>
      %sub3A_29 = arith.subf %get3A_24, %sub3A : vector<1x100000xf32>
      %exp3A = math.exp %sub3A_29 : vector<1x100000xf32>
      %reduce_sum3A = vector.shape_cast %exp3A : vector<1x100000xf32> to vector<1x1x100000xf32>
      %reduce_sum3A_30 = arith.constant dense<0.000000e+00> : vector<1xf32>
      %reduce_sum3A_31 = vector.multi_reduction <add>, %reduce_sum3A, %reduce_sum3A_30 [1, 2] : vector<1x1x100000xf32> to vector<1xf32>
      %reduce_sum3A_32 = vector.shape_cast %reduce_sum3A_31 : vector<1xf32> to vector<1x1x1xf32>
      %reduce_sum3A_33 = vector.extract %reduce_sum3A_32[0, 0, 0] : f32 from vector<1x1x1xf32>
      %log3A = math.log %reduce_sum3A_33 : f32
      %add3A_34 = arith.addf %reduce_max3A_28, %log3A : f32
      %sub3A_35 = vector.broadcast %add3A_34 : f32 to vector<1x100000xf32>
      %sub3A_36 = arith.subf %get3A_24, %sub3A_35 : vector<1x100000xf32>
      %swap3A_37 = arith.constant 0 : index
      %swap3A_38 = arith.constant 0 : index
      %swap3A_39 = vector.load %arg6[%swap3A_37, %swap3A_38] : memref<1x100000xf32, #tpu.memory_space<vmem>>, vector<1x100000xf32>
      tpu.vector_store %arg6[%swap3A_37, %swap3A_38], %sub3A_36 {strides = array<i32>} : memref<1x100000xf32, #tpu.memory_space<vmem>>, vector<1x100000xf32>,
    } else {
    }
    return
  }
  func.func @transform_0(%arg0: i32) -> (i32, i32) {
    %c0_i32 = arith.constant 0 : i32
    %c0_i32_0 = arith.constant 0 : i32
    %c0_i32_1 = arith.constant 0 : i32
    return %c0_i32, %c0_i32_0 : i32, i32
  }
  func.func @transform_1(%arg0: i32) -> (i32, i32) {
    %c0_i32 = arith.constant 0 : i32
    %c0_i32_0 = arith.constant 0 : i32
    %c0_i32_1 = arith.constant 0 : i32
    return %c0_i32, %c0_i32_0 : i32, i32
  }
  func.func @transform_2(%arg0: i32) -> (i32, i32) {
    %c0_i32 = arith.constant 0 : i32
    %c0_i32_0 = arith.constant 0 : i32
    %c0_i32_1 = arith.constant 0 : i32
    return %c0_i32, %c0_i32_0 : i32, i32
  }
  func.func @transform_3(%arg0: i32) -> (i32, i32) {
    %c0_i32 = arith.constant 0 : i32
    %c0_i32_0 = arith.constant 0 : i32
    return %arg0, %c0_i32 : i32, i32
  }
  func.func @transform_4(%arg0: i32) -> (i32, i32) {
    %c0_i32 = arith.constant 0 : i32
    %c0_i32_0 = arith.constant 0 : i32
    return %c0_i32, %arg0 : i32, i32
  }
  func.func @transform_5(%arg0: i32) -> (i32, i32) {
    %c0_i32 = arith.constant 0 : i32
    %c0_i32_0 = arith.constant 0 : i32
    %c0_i32_1 = arith.constant 0 : i32
    return %c0_i32, %c0_i32_0 : i32, i32
  }
}

</mosaic_0001>

<sc_bundles>
// kernel: kernel.4.cloned.1.call-start
scs
__scs_entry_jumppad:
0x0: {  	(pc) =	sbr.rel $0x88, $3  }
0x1: {  	(tag) =	ssettag $0x0;
	lr =	simm.s32 $0x1  }
0x2: {  	[smem:$0x3F9B] =	sst lr;
	_ =	strace $0xD0000000  }
0x3: {  	_ = 	snop  }
0x4: {  	_ = 	snop  }
0x5: {  	_ = 	snop  }
0x6: {  	_ = 	snop  }
0x7: {  	_ = 	snop  }
__scs_overlays_trampoline_lowered:
0x8: {  	[smem:$0x3FAA] =	sst s0  }
0x9: {  	[smem:$0x3FAB] =	sst s1  }
0xa: {  	[smem:$0x3FAC] =	sst s2  }
0xb: {  	[smem:$0x3FAD] =	sst s3  }
0xc: {  	[smem:$0x3FAE] =	sst s4  }
0xd: {  	[smem:$0x3FAF] =	sst s5  }
0xe: {  	[smem:$0x3FB0] =	sst s6  }
0xf: {  	[smem:$0x3FB1] =	sst s7  }
0x10: {  	[smem:$0x3FB2] =	sst s8  }
0x11: {  	[smem:$0x3FB3] =	sst s9;
	s0 =	simm.s32 @!p0 $0x0  }
0x12: {  	s1 =	sld [smem:$0x3F99];
	s0 =	simm.s32 @p0 $0x1  }
0x13: {  	[smem:$0x3FB4] =	sst s0;
	s0 =	simm.s32 @!p1 $0x0  }
0x14: {  	s2 =	sld [smem:$0x3F98];
	s0 =	simm.s32 @p1 $0x1  }
0x15: {  	[smem:$0x3FB5] =	sst s0;
	s0 =	simm.s32 @!p2 $0x0  }
0x16: {  	s3 =	sld [smem:$0x3FDB];
	s0 =	simm.s32 @p2 $0x1  }
0x17: {  	s4 =	simm.s32 $0x1BF5;
	[smem:$0x3FB7] =	sst s0  }
0x18: {  	s0 =	sld [smem:$0x3F9A];
	_ =	swait.ge [sflag:s4], $0x0  }
0x19: {  	s7 =	sld [smem:$0x3F9B]  }
0x1a: {  	s8 =	sadd.s32 $0xFFFFE003, lr  }
0x1b: {  	s9 =	sadd.s32 $0xFFFFFEF7, lr;
	s5 =	simm.s32 $0xFFFFFFFF;
	p2 =	slt.u32 s8, $0xFFFFF086  }
0x1c: {  	p1 =	slt.u32 s9, $0xF7A;
	s5 =	simm.s32 @!p2 $0x0  }
0x1d: {  	s5 =	simm.s32 @p1 $0x1;
	p0 =	seq.s32 s7, s2  }
0x1e: {  	s7 =	smul.u32 @!p0 $0xF7A, s2;
	p2 =	seq.s32 @!p0 s5, $0x0  }
0x1f: {  	s9 =	smul.u32 $0xF7A, s1;
	s8 =	simm.s32 @!p0 $0x1BF5;
	p2 =	por !p2, p0  }
0x20: {  	[sflag:s8] =	ssyncset.s32 @!p0 $0xFFFFF086;
	s6 =	sadd.s32 @!p0 s3, s7;
	s7 =	simm.s32 @!p0 $0x108  }
0x21: {  	s3 =	sadd.s32 s3, s9;
	s6 =	sadd.s32 @!p0 $0x88, s6;
	s7 =	simm.s32 @p2 $0x1082  }
0x22: {  	[simem:s7], [sflag:s8] =	dma.local @!p0 [hbm:s6], $0xF7A  }
0x23: {  	s9 =	sor.u32 $0xD0000000, s2;
	s6 =	simm.s32 $0x108;
	_ =	swait.ge @!p0 [sflag:s8], $0x0  }
0x24: {  	s3 =	sadd.s32 $0x88, s3;
	s6 =	simm.s32 @!p1 $0x1082;
	[sflag:s4] =	ssyncset.s32 $0xFFFFF086  }
0x25: {  	[simem:s6], [sflag:s4] =	dma.local [hbm:s3], $0xF7A  }
0x26: {  	[smem:$0x3F9B] =	sst s1;
	(tag) =	ssettag s2;
	_ =	strace s9  }
0x27: {  	s1 =	sld [smem:$0x3FAB]  }
0x28: {  	s2 =	sld [smem:$0x3FAC]  }
0x29: {  	s4 =	sld [smem:$0x3FAE]  }
0x2a: {  	p0 =	seq.s32 s5, $0x0;
	s5 =	sld [smem:$0x3FAF]  }
0x2b: {  	s6 =	sld [smem:$0x3FB0]  }
0x2c: {  	s7 =	sld [smem:$0x3FB1]  }
0x2d: {  	s3 =	simm.s32 $0x108;
	s8 =	sld [smem:$0x3FB2]  }
0x2e: {  	s3 =	simm.s32 @!p0 $0x1082;
	s9 =	sld [smem:$0x3FB3]  }
0x2f: {  	lr =	sadd.s32 s0, s3;
	s0 =	sld [smem:$0x3FAA]  }
0x30: {  	s3 =	sld [smem:$0x3FAD]  }
0x31: {  	[smem:$0x3FB6] =	sst s10  }
0x32: {  	s10 =	sld [smem:$0x3FB4];
	_ =	sdelay $0x3  }
0x33: {  	p0 =	seq.s32 s10, $0x1;
	s10 =	sld [smem:$0x3FB6];
	_ =	sdelay $0x3  }
0x34: {  	[smem:$0x3FB6] =	sst s10  }
0x35: {  	s10 =	sld [smem:$0x3FB5];
	_ =	sdelay $0x3  }
0x36: {  	p1 =	seq.s32 s10, $0x1;
	s10 =	sld [smem:$0x3FB6];
	_ =	sdelay $0x3  }
0x37: {  	[smem:$0x3FB6] =	sst s10  }
0x38: {  	s10 =	sld [smem:$0x3FB7]  }
0x39: {  	_ = 	snop;
	(pc) =	sbr.ind lr, $3  }
0x3a: {  	_ = 	snop  }
0x3b: {  	_ = 	snop  }
0x3c: {  	p2 =	seq.s32 s10, $0x1;
	s10 =	sld [smem:$0x3FB6]  }
0x3d: {  	_ =	shalt  }
0x3e: {  	_ =	shalt  }
0x3f: {  	_ =	shalt  }
0x40: {  	_ =	shalt  }
0x41: {  	_ =	shalt  }
0x42: {  	_ =	shalt  }
0x43: {  	_ =	shalt  }
0x44: {  	_ =	shalt  }
0x45: {  	_ =	shalt  }
0x46: {  	_ =	shalt  }
0x47: {  	_ =	shalt  }
0x48: {  	_ =	shalt  }
0x49: {  	_ =	shalt  }
0x4a: {  	_ =	shalt  }
0x4b: {  	_ =	shalt  }
0x4c: {  	_ =	shalt  }
0x4d: {  	_ =	shalt  }
0x4e: {  	_ =	shalt  }
0x4f: {  	_ =	shalt  }
0x50: {  	_ =	shalt  }
0x51: {  	_ =	shalt  }
0x52: {  	_ =	shalt  }
0x53: {  	_ =	shalt  }
0x54: {  	_ =	shalt  }
0x55: {  	_ =	shalt  }
0x56: {  	_ =	shalt  }
0x57: {  	_ =	shalt  }
0x58: {  	_ =	shalt  }
0x59: {  	_ =	shalt  }
0x5a: {  	_ =	shalt  }
0x5b: {  	_ =	shalt  }
0x5c: {  	_ =	shalt  }
0x5d: {  	_ =	shalt  }
0x5e: {  	_ =	shalt  }
0x5f: {  	_ =	shalt  }
0x60: {  	_ =	shalt  }
0x61: {  	_ =	shalt  }
0x62: {  	_ =	shalt  }
0x63: {  	_ =	shalt  }
0x64: {  	_ =	shalt  }
0x65: {  	_ =	shalt  }
0x66: {  	_ =	shalt  }
0x67: {  	_ =	shalt  }
0x68: {  	_ =	shalt  }
0x69: {  	_ =	shalt  }
0x6a: {  	_ =	shalt  }
0x6b: {  	_ =	shalt  }
0x6c: {  	_ =	shalt  }
0x6d: {  	_ =	shalt  }
0x6e: {  	_ =	shalt  }
0x6f: {  	_ =	shalt  }
0x70: {  	_ =	shalt  }
0x71: {  	_ =	shalt  }
0x72: {  	_ =	shalt  }
0x73: {  	_ =	shalt  }
0x74: {  	_ =	shalt  }
0x75: {  	_ =	shalt  }
0x76: {  	_ =	shalt  }
0x77: {  	_ =	shalt  }
0x78: {  	_ =	shalt  }
0x79: {  	_ =	shalt  }
0x7a: {  	_ =	shalt  }
0x7b: {  	_ =	shalt  }
0x7c: {  	_ =	shalt  }
0x7d: {  	_ =	shalt  }
0x7e: {  	_ =	shalt  }
0x7f: {  	_ =	shalt  }
0x80: {  	_ =	shalt  }
0x81: {  	_ =	shalt  }
0x82: {  	_ =	shalt  }
0x83: {  	_ =	shalt  }
0x84: {  	_ =	shalt  }
0x85: {  	_ =	shalt  }
0x86: {  	_ =	shalt  }
0x87: {  	_ =	shalt  }
.Lfunc_end0:
.L_simem_size_0:
called_computation_lowered:
.L_overlay_start_0:
0x88: {  	s2 =	sld [smem:$0x3FD9]  }
0x89: {  	s3 =	sld [smem:$0x3FFE];
	_ =	sdelay $0x1  }
0x8a: {  	s1 =	srdreg.scid  }
0x8b: {  	s0 =	sand.u32 $0x1, s1  }
0x8c: {  	s18 =	sshll.u32 s0, $0xA;
	s2 =	sadd.s32 s3, s2  }
0x8d: {  	s2 =	sadd.s32 s2, s18  }
0x8e: {  	[smem:$0x3FC2] =	sst s2  }
0x8f: {  	_ = 	snop  }
0x90: {  	s2 =	sld [smem:$0x3FC9]  }
0x91: {  	s19 =	sld [smem:$0x3FC8]  }
0x92: {  	s4 =	sld [smem:$0x3FD0];
	(tm) =	ssettm $0x1  }
0x93: {  	s5 =	sld [smem:$0x3FFB];
	_ =	sdelay $0x3  }
0x94: {  	_ =	strace s5  }
0x95: {  	s5 =	sld [smem:$0x3FFC];
	_ =	sdelay $0x3  }
0x96: {  	_ =	strace s5  }
0x97: {  	s5 =	sld [smem:$0x3FFD];
	_ =	sdelay $0x3  }
0x98: {  	_ =	strace s5  }
0x99: {  	_ =	strace $0x8FFFFFFF  }
0x9a: {  	s20 =	sld [smem:$0x3FDB];
	_ =	sdelay $0x1  }
0x9b: {  	s6 =	simm.s32 $_scs_section_size  }
0x9c: {  	s7 =	simm.s32 $_size__tile_overlayer_lowered;
	s8 =	simm.s32 $_tile_overlayer_lowered  }
0x9d: {  	s23 =	simm.s32 $0x1BFF;
	s22 =	sshll.u32 s8, $0x1;
	s5 =	sadd.s32 s6, s20  }
0x9e: {  	s9 =	simm.s32 $0x0;
	s21 =	sshll.u32 s7, $0x1;
	s7 =	sadd.s32 s22, s5  }
0x9f: {  	[timem:s9], [sflag:s23] =	dma.local [hbm:s7], s21  }
0xa0: {  	_ =	swait.ge [sflag:s23], s21  }
0xa1: {  	s6 =	ssub.s32 $0x0, s21;
	[sflag:s23] =	ssyncset.done $0x0  }
0xa2: {  	[sflag:s23] =	ssyncadd.s32 s6;
	_ =	sdelay $0x1  }
0xa3: {  	s24 =	simm.s32 $0x1B8B  }
0xa4: {  	_ =	swait.ge [sflag:s24], $0x1  }
0xa5: {  	[sflag:s24] =	ssyncset.done $0x0  }
0xa6: {  	s25 =	simm.s32 $0x1B8E;
	[sflag:s24] =	ssyncadd.s32 $0xFFFFFFFF  }
0xa7: {  	s26 =	simm.s32 $execute0_lowered;
	[smem:$0x3FD2] =	sst s25  }
0xa8: {  	s6 =	sshll.u32 s26, $0x1;
	_ =	strace $0x80000046;
	[dreg:$0x1] =	wrdreg $0xFFFFFFFF  }
0xa9: {  	s28 =	simm.s32 $_size_execute0_lowered;
	s5 =	sadd.s32 s5, s6;
	[dreg:$0x0] =	wrdreg $0x0  }
0xaa: {  	s6 =	sshll.u32 s28, $0x1;
	[dreg:$0x2] =	wrdreg s5  }
0xab: {  	[dreg:$0x3] =	wrdreg s6  }
0xac: {  	[dreg:$0x4] =	wrdreg $0xC0  }
0xad: {  	_ =	task [dreg:s9], $0x5FFFF  }
0xae: {  	[dreg:$0x1] =	wrdreg $0xFFFFFFFF  }
0xaf: {  	[dreg:$0x0] =	wrdreg $0x60  }
0xb0: {  	[dreg:$0x2] =	wrdreg s2  }
0xb1: {  	[dreg:$0x3] =	wrdreg s19  }
0xb2: {  	[dreg:$0x4] =	wrdreg s4  }
0xb3: {  	[dreg:$0x5] =	wrdreg $0x9  }
0xb4: {  	_ =	task.clear_ibuf [dreg:s9], $0x6FFFF;
	_ =	strace $0x90000046  }
0xb5: {  	s29 =	simm.s32 $0x9;
	_ =	strace $0x80000048  }
0xb6: {  	_ =	swait.ge [sflag:s29], $0x1  }
0xb7: {  	[sflag:s29] =	ssyncadd.s32 $0xFFFFFFFF  }
0xb8: {  	_ =	strace $0x90000048  }
0xb9: {  	_ =	sfence  }
0xba: {  	s30 =	sld [smem:$0x0];
	_ =	sdelay $0x2  }
0xbb: {  	s31 =	sshll.u32 s1, $0xD;
	s1 =	sshrl.u32 s1, $0x2  }
0xbc: {  	s3 =	sand.u32 $0x4000, s31;
	s1 =	sadd.s32 s1, s30  }
0xbd: {  	s0 =	sor.u32 s3, s0;
	s1 =	sshll.u32 s1, $0x11  }
0xbe: {  	s0 =	sor.u32 s1, s0  }
0xbf: {  	s0 =	sadd.s32 $0x8F2B, s0  }
0xc0: {  	[sflag:s0] =	ssyncadd.remote.s32 $0x1  }
0xc1: {  	_ =	sfence.sel $0xFFFF  }
0xc2: {  	[dreg:$0x0] =	wrdreg $0xFFFFFFFF;
	(pc) =	sbr.abs _section_cstart, $3  }
0xc3: {  	[dreg:$0x1] =	wrdreg $0xFFFFFFFF  }
0xc4: {  	_ =	task.clear_ibuf [dreg:s9], $0x2FFFF;
	_ =	strace $0x9FFFFFFF  }
0xc5: {  	(tm) =	ssettm $0x7FFFFFFF  }
tec
execute0_lowered:
.L_overlay_start_1:
0x0: {  	(tag) =	ssettag $0x1  }
0x1: {  	s0 =	srdreg.scid  }
0x2: {  	s7 =	sand.u32 $0x1, s0;
	s0 =	stileid.u32  }
0x3: {  	s5 =	sshll.u32 s0, $0x1;
	s6 =	ssub.s32 $0x0, s7  }
0x4: {  	p0 =	sne.s32 s5, s6  }
.Ltmp0:
0x5: {  	_ = 	snop;
	(pc) =	sbr.rel @p0 .LBB2_4-.Ltmp0, $4  }
0x6: {  	s2 =	rddreg [dreg:$0x0]  }
0x7: {  	s3 =	rddreg [dreg:$0x1]  }
0x8: {  	s4 =	rddreg [dreg:$0x2]  }
0x9: {  	s1 =	rddreg [dreg:$0x3];
	_ =	strace $0x80000047  }
0xa: {  	s6 =	simm.s32 $0x0;
	s5 =	simm.s32 $0x2;
	s10 =	ssub.s32 $0x2, s7  }
0xb: {  	[tilespmem:s6], [sflag:$0x2] =	stream.linear.gather [hbm4b:s2+s6], $0x80, $0x38;
	[tilespmem:$0x1C80] =	vst v63  }
0xc: {  	s7 =	simm.s32 $0x32;
	s11 =	sshrl.u32 s10, $0x1;
	_ =	swait.ge [sflag:s5], $0x80  }
0xd: {  	s8 =	simm.s32 $0x80;
	s10 =	ssub.s32 s10, s11;
	[sflag:s5] =	ssyncset.done $0x0  }
0xe: {  	s9 =	simm.s32 $0x1;
	s10 =	smax.u32 s10, $0x1;
	[sflag:s5] =	ssyncadd.s32 $0xFFFFFF80  }
0xf: {  	[tilespmem:s8], [sflag:$0x1] =	stream.indirect.gather [hbm4b:s3+s7], $0x80, s6, s7, $0xb8;
	[tilespmem:$0x1C80] =	vst v63  }
0x10: {  	p0 =	sne.s32 s10, $0x1;
	_ =	swait.ge [sflag:s9], $0x1900  }
.Ltmp1:
0x11: {  	[sflag:s9] =	ssyncset.done $0x0;
	(pc) =	sbr.rel @!p0 .LBB2_3-.Ltmp1, $4  }
0x12: {  	[sflag:s9] =	ssyncadd.s32 $0xFFFFE700  }
0x13: {  	[hbm4b:s4+s6] =	stream.linear.scatter [tilespmem:s8], [sflag:$0x2], $0x1900, $0x38;
	[tilespmem:$0x1C80] =	vst v63  }
0x14: {  	_ =	swait.ge [sflag:s5], $0x1900  }
0x15: {  	s10 =	sadd.s32 $0xFFFFFFFF, s10;
	[sflag:s5] =	ssyncset.done $0x0  }
.LBB2_2:
0x16: {  	p0 =	sne.s32 s10, $0x1;
	s10 =	sadd.s32 $0xFFFFFFFF, s10;
	[sflag:s5] =	ssyncadd.s32 $0xFFFFE700  }
0x17: {  	[tilespmem:s6], [sflag:$0x2] =	stream.linear.gather [hbm4b:s2+s6], $0x80, $0x38;
	[tilespmem:$0x1C80] =	vst v63  }
0x18: {  	_ =	swait.ge [sflag:s5], $0x80  }
0x19: {  	[sflag:s5] =	ssyncset.done $0x0  }
0x1a: {  	[sflag:s5] =	ssyncadd.s32 $0xFFFFFF80  }
0x1b: {  	[tilespmem:s8], [sflag:$0x1] =	stream.indirect.gather [hbm4b:s3+s7], $0x80, s6, s7, $0xb8;
	[tilespmem:$0x1C80] =	vst v63  }
0x1c: {  	_ =	swait.ge [sflag:s9], $0x1900  }
.Ltmp2:
0x1d: {  	[sflag:s9] =	ssyncset.done $0x0;
	(pc) =	sbr.rel @p0 .LBB2_2-.Ltmp2, $4  }
0x1e: {  	[sflag:s9] =	ssyncadd.s32 $0xFFFFE700  }
0x1f: {  	[hbm4b:s4+s6] =	stream.linear.scatter [tilespmem:s8], [sflag:$0x2], $0x1900, $0x38;
	[tilespmem:$0x1C80] =	vst v63  }
0x20: {  	_ =	swait.ge [sflag:s5], $0x1900  }
0x21: {  	[sflag:s5] =	ssyncset.done $0x0  }
.LBB2_3:
0x22: {  	[sflag:s5] =	ssyncadd.s32 $0xFFFFE700  }
.LBB2_4:
0x23: {  	_ =	sfence.sel $0x180000  }
0x24: {  	[bflag:$0x0] =	sbarrier.arrive $0xFFFF  }
0x25: {  	p0 =	sne.s32 s0, $0x0;
	_ =	strace $0x90000047  }
0x26: {  	s0 =	sadd.s32 @!p0 $0x100000, s1;
	[bflag:$0x2] =	sbarrier.arrive $0xFFFF  }
0x27: {  	[sflag:s0] =	ssyncadd.tile.s32 @!p0 $0x1;
	_ =	shalt  }
.Lfunc_end2:
_tile_overlayer_lowered:
.L_overlay_start_2:
0x28: {  	(tag) =	ssettag $0x2  }
0x29: {  	s0 =	rddreg [dreg:$0x0];
	s2 =	stileid.u32  }
0x2a: {  	s1 =	rddreg [dreg:$0x1];
	p0 =	sne.s32 s2, $0x0  }
0x2b: {  	s3 =	rddreg [dreg:$0x2];
	[bflag:$0x3] =	sbarrier.arrive $0xFFFF;
	s2 =	simm.s32 @!p0 $0x1C02  }
0x2c: {  	[timem:s3], [sflag:s2] =	dma.local @!p0 [hbm:s0], s1  }
0x2d: {  	s0 =	simm.s32 @!p0 $0x2  }
0x2e: {  	_ =	swait.ge @!p0 [sflag:s0], s1  }
0x2f: {  	s1 =	ssub.s32 @!p0 $0x0, s1;
	[sflag:s0] =	ssyncset.done @!p0 $0x0  }
0x30: {  	[sflag:s0] =	ssyncadd.s32 @!p0 s1  }
0x31: {  	[bflag:$0x3] =	sbarrier.arrive $0xFFFF  }
0x32: {  	_ =	shalt  }

</sc_bundles>
